<compile_context>
chip_gen: v7x
topology: tpu7x:2x2x1
jax: 0.10.2.dev20260603
libtpu: 0.0.44.dev20260713+nightly
codegen_flags: <defaults>
</compile_context>

<pallas_src>
import functools

import jax
import jax.numpy as jnp
from jax import lax
from jax.experimental import pallas as pl
from jax.experimental.pallas import tpu as pltpu
from jax.experimental.pallas import tpu_sc as plsc

NUM_CORES = 2
NUM_SUBCORES = 16
NW = NUM_CORES * NUM_SUBCORES
CHUNK = 128
VPAD = 1024
STG = VPAD // NUM_SUBCORES


def kernel(labels, embedding_table):
    (B,) = labels.shape
    V, D = embedding_table.shape
    b_per_w = B // NW
    n_ch = b_per_w // CHUNK

    labels_1d = labels.astype(jnp.int32)
    table_pad = jnp.pad(embedding_table, ((0, VPAD - V), (0, 0)))
    mesh = plsc.VectorSubcoreMesh(core_axis_name="c", subcore_axis_name="s")

    @functools.partial(
        pl.kernel,
        mesh=mesh,
        out_type=jax.ShapeDtypeStruct((B, D), jnp.float32),
        scratch_types=[
            pltpu.VMEM((b_per_w,), jnp.int32),
            pltpu.VMEM((b_per_w, D), jnp.float32),
            pltpu.VMEM((STG, D), jnp.float32),
            pltpu.VMEM_SHARED((VPAD, D), jnp.float32),
        ]
        + [pltpu.SemaphoreType.DMA] * n_ch
        + [pltpu.SemaphoreType.DMA] * 2,
    )
    def emb(table_hbm, labels_hbm, out_hbm, idx_v, rows_v, stage_v, table_sp, *sems):
        gsems, osem, tsem = sems[:n_ch], sems[n_ch], sems[n_ch + 1]
        cid = lax.axis_index("c")
        sid = lax.axis_index("s")
        wid = sid * NUM_CORES + cid
        base = wid * b_per_w

        a_tb = pltpu.async_copy(table_hbm.at[pl.ds(sid * STG, STG)], stage_v, tsem)
        pltpu.sync_copy(labels_hbm.at[pl.ds(base, b_per_w)], idx_v)
        gathers = [None] * n_ch
        gathers[0] = pltpu.async_copy(
            table_hbm.at[idx_v.at[pl.ds(0, CHUNK)]], rows_v.at[pl.ds(0, CHUNK)], gsems[0]
        )
        a_tb.wait()
        pltpu.sync_copy(stage_v, table_sp.at[pl.ds(sid * STG, STG)])
        plsc.subcore_barrier()

        stores = []
        for j in range(n_ch):
            gathers[j].wait()
            if j + 1 < n_ch:
                gathers[j + 1] = pltpu.async_copy(
                    table_sp.at[idx_v.at[pl.ds((j + 1) * CHUNK, CHUNK)]],
                    rows_v.at[pl.ds((j + 1) * CHUNK, CHUNK)],
                    gsems[j + 1],
                )
            stores.append(
                pltpu.async_copy(
                    rows_v.at[pl.ds(j * CHUNK, CHUNK)],
                    out_hbm.at[pl.ds(base + j * CHUNK, CHUNK)],
                    osem,
                )
            )
        for c in stores:
            c.wait()

    return emb(table_pad, labels_1d)

# --- scband reference (transcript-rebuilt; emitter-appended) ---
"""Pipeline reference for scband-label-embedder-52767968198902 (READ-ONLY COPY).

The authoritative reference and input builder live on the scoring server;
editing this copy changes nothing except your own understanding.
"""

import jax, jax.numpy as jnp
import numpy as np

NUM_CLASSES = 1000
HIDDEN_SIZE = 128
USE_CFG = 1  # dropout_prob > 0 adds one extra cfg embedding row
BATCH = 16384

def setup_inputs(seed: int = 0) -> dict:
    key = jax.random.key(seed)
    k1, k2 = jax.random.split(key)
    labels = jax.random.randint(k1, (BATCH,), 0, NUM_CLASSES + USE_CFG)
    embedding_table = jax.random.normal(k2, (NUM_CLASSES + USE_CFG, HIDDEN_SIZE), dtype=jnp.float32)
    return {"labels": labels, "embedding_table": embedding_table}

def reference(labels, embedding_table):
    # nn.Embedding lookup: embeddings = embedding_table(labels)
    embeddings = jnp.take(embedding_table, labels, axis=0)
    return embeddings

if __name__ == "__main__":
    import jax
    _d = setup_inputs()
    print(jax.jit(kernel)(*tuple(_d.values())))

</pallas_src>

<mosaic_0001>
#map = affine_map<(d0, d1) -> (0, 0)>
#map1 = affine_map<(d0, d1) -> (0)>
module attributes {stable_mosaic.version = 14 : i64} {
  func.func @emb(%arg0: i32, %arg1: i32, %arg2: memref<1024x128xf32, #tpu.memory_space<hbm>>, %arg3: memref<16384xi32, #tpu.memory_space<hbm>>, %arg4: memref<16384x128xf32, #tpu.memory_space<hbm>>, %arg5: memref<512xi32, #tpu.memory_space<vmem>>, %arg6: memref<512x128xf32, #tpu.memory_space<vmem>>, %arg7: memref<64x128xf32, #tpu.memory_space<vmem>>, %arg8: memref<1024x128xf32, #tpu.memory_space<vmem_shared>>, %arg9: memref<!tpu.dma_semaphore, #tpu.memory_space<semaphore_mem>>, %arg10: memref<!tpu.dma_semaphore, #tpu.memory_space<semaphore_mem>>, %arg11: memref<!tpu.dma_semaphore, #tpu.memory_space<semaphore_mem>>, %arg12: memref<!tpu.dma_semaphore, #tpu.memory_space<semaphore_mem>>, %arg13: memref<!tpu.dma_semaphore, #tpu.memory_space<semaphore_mem>>, %arg14: memref<!tpu.dma_semaphore, #tpu.memory_space<semaphore_mem>>) attributes {dimension_semantics = [#tpu.dimension_semantics<core_parallel>, #tpu.dimension_semantics<subcore_parallel>], iteration_bounds = array<i64: 2, 16>, scalar_prefetch = 0 : i64, scratch_operands = 10 : i64, tpu.core_type = #tpu.core_type<sc_vector_subcore>, window_params = [{transform_indices = #map}, {transform_indices = #map1}, {transform_indices = #map}]} {
    %mul3A = arith.constant 2 : i32
    %mul3A_0 = arith.muli %arg1, %mul3A : i32
    %add3A = arith.addi %mul3A_0, %arg0 : i32
    %mul3A_1 = arith.constant 512 : i32
    %mul3A_2 = arith.muli %add3A, %mul3A_1 : i32
    %mul3A_3 = arith.constant 64 : i32
    %mul3A_4 = arith.muli %arg1, %mul3A_3 : i32
    %dma_start3A = arith.constant 0 : i32
    %dma_start3A_5 = tpu.memref_slice %arg2[%mul3A_4, %dma_start3A] : memref<1024x128xf32, #tpu.memory_space<hbm>> -> memref<64x128xf32, #tpu.memory_space<hbm>>
    %dma_start3A_6 = arith.constant 0 : i32
    %dma_start3A_7 = tpu.memref_slice %arg2[%mul3A_4, %dma_start3A_6] : memref<1024x128xf32, #tpu.memory_space<hbm>> -> memref<64x128xf32, #tpu.memory_space<hbm>>
    tpu.enqueue_dma source(%dma_start3A_7 : memref<64x128xf32, #tpu.memory_space<hbm>>) target(%arg7 : memref<64x128xf32, #tpu.memory_space<vmem>>) target_semaphore(%arg14 : memref<!tpu.dma_semaphore, #tpu.memory_space<semaphore_mem>>)
    "tpu.region"() ({
      %run_scoped3A = tpu.sem_alloc : memref<!tpu.dma_semaphore, #tpu.memory_space<semaphore_mem>>
      %dma_start3A_165 = tpu.memref_slice %arg3[%mul3A_2] : memref<16384xi32, #tpu.memory_space<hbm>> -> memref<512xi32, #tpu.memory_space<hbm>>
      %dma_start3A_166 = tpu.memref_slice %arg3[%mul3A_2] : memref<16384xi32, #tpu.memory_space<hbm>> -> memref<512xi32, #tpu.memory_space<hbm>>
      tpu.enqueue_dma source(%dma_start3A_166 : memref<512xi32, #tpu.memory_space<hbm>>) target(%arg5 : memref<512xi32, #tpu.memory_space<vmem>>) target_semaphore(%run_scoped3A : memref<!tpu.dma_semaphore, #tpu.memory_space<semaphore_mem>>)
      %dma_wait3A_167 = tpu.memref_slice %arg3[%mul3A_2] : memref<16384xi32, #tpu.memory_space<hbm>> -> memref<512xi32, #tpu.memory_space<hbm>>
      %dma_wait3A_168 = tpu.memref_slice %arg3[%mul3A_2] : memref<16384xi32, #tpu.memory_space<hbm>> -> memref<512xi32, #tpu.memory_space<hbm>>
      tpu.wait_dma2 semaphore(%run_scoped3A : memref<!tpu.dma_semaphore, #tpu.memory_space<semaphore_mem>>) src(%dma_wait3A_168 : memref<512xi32, #tpu.memory_space<hbm>>) dst(%arg5 : memref<512xi32, #tpu.memory_space<vmem>>)
      tpu.yield
    }) : () -> ()
    %dma_start3A_8 = arith.constant 0 : i32
    %dma_start3A_9 = arith.constant 0 : i32
    %dma_start3A_10 = tpu.memref_slice %arg6[%dma_start3A_8, %dma_start3A_9] : memref<512x128xf32, #tpu.memory_space<vmem>> -> memref<128x128xf32, #tpu.memory_space<vmem>>
    %dma_start3A_11 = arith.constant 0 : i32
    %dma_start3A_12 = tpu.memref_slice %arg5[%dma_start3A_11] : memref<512xi32, #tpu.memory_space<vmem>> -> memref<128xi32, #tpu.memory_space<vmem>>
    %dma_start3A_13 = arith.constant 0 : i32
    %dma_start3A_14 = arith.constant 0 : i32
    %dma_start3A_15 = tpu.memref_slice %arg2[%dma_start3A_13, %dma_start3A_14] : memref<1024x128xf32, #tpu.memory_space<hbm>> -> memref<1024x128xf32, #tpu.memory_space<hbm>>
    tpu.enqueue_indirect_dma source(%dma_start3A_15 : memref<1024x128xf32, #tpu.memory_space<hbm>>) target(%dma_start3A_10 : memref<128x128xf32, #tpu.memory_space<vmem>>) offsets(%dma_start3A_12 : memref<128xi32, #tpu.memory_space<vmem>>) semaphore(%arg9 : memref<!tpu.dma_semaphore, #tpu.memory_space<semaphore_mem>>)
    %dma_wait3A = arith.constant 0 : i32
    %dma_wait3A_16 = tpu.memref_slice %arg2[%mul3A_4, %dma_wait3A] : memref<1024x128xf32, #tpu.memory_space<hbm>> -> memref<64x128xf32, #tpu.memory_space<hbm>>
    %dma_wait3A_17 = arith.constant 0 : i32
    %dma_wait3A_18 = tpu.memref_slice %arg2[%mul3A_4, %dma_wait3A_17] : memref<1024x128xf32, #tpu.memory_space<hbm>> -> memref<64x128xf32, #tpu.memory_space<hbm>>
    tpu.wait_dma2 semaphore(%arg14 : memref<!tpu.dma_semaphore, #tpu.memory_space<semaphore_mem>>) src(%dma_wait3A_18 : memref<64x128xf32, #tpu.memory_space<hbm>>) dst(%arg7 : memref<64x128xf32, #tpu.memory_space<vmem>>)
    %mul3A_19 = arith.constant 64 : i32
    %mul3A_20 = arith.muli %arg1, %mul3A_19 : i32
    "tpu.region"() ({
      %run_scoped3A = tpu.sem_alloc : memref<!tpu.dma_semaphore, #tpu.memory_space<semaphore_mem>>
      %dma_start3A_165 = arith.constant 0 : i32
      %dma_start3A_166 = tpu.memref_slice %arg8[%mul3A_20, %dma_start3A_165] : memref<1024x128xf32, #tpu.memory_space<vmem_shared>> -> memref<64x128xf32, #tpu.memory_space<vmem_shared>>
      %dma_start3A_167 = arith.constant 0 : i32
      %dma_start3A_168 = tpu.memref_slice %arg8[%mul3A_20, %dma_start3A_167] : memref<1024x128xf32, #tpu.memory_space<vmem_shared>> -> memref<64x128xf32, #tpu.memory_space<vmem_shared>>
      tpu.enqueue_dma source(%arg7 : memref<64x128xf32, #tpu.memory_space<vmem>>) target(%dma_start3A_168 : memref<64x128xf32, #tpu.memory_space<vmem_shared>>) target_semaphore(%run_scoped3A : memref<!tpu.dma_semaphore, #tpu.memory_space<semaphore_mem>>)
      %dma_wait3A_169 = arith.constant 0 : i32
      %dma_wait3A_170 = tpu.memref_slice %arg8[%mul3A_20, %dma_wait3A_169] : memref<1024x128xf32, #tpu.memory_space<vmem_shared>> -> memref<64x128xf32, #tpu.memory_space<vmem_shared>>
      %dma_wait3A_171 = arith.constant 0 : i32
      %dma_wait3A_172 = tpu.memref_slice %arg8[%mul3A_20, %dma_wait3A_171] : memref<1024x128xf32, #tpu.memory_space<vmem_shared>> -> memref<64x128xf32, #tpu.memory_space<vmem_shared>>
      tpu.wait_dma2 semaphore(%run_scoped3A : memref<!tpu.dma_semaphore, #tpu.memory_space<semaphore_mem>>) src(%arg7 : memref<64x128xf32, #tpu.memory_space<vmem>>) dst(%dma_wait3A_172 : memref<64x128xf32, #tpu.memory_space<vmem_shared>>)
      tpu.yield
    }) : () -> ()
    %barrier3A = arith.constant 0 : index
    tpu.barrier barrier_id(%barrier3A)
    %dma_wait3A_21 = arith.constant 0 : i32
    %dma_wait3A_22 = arith.constant 0 : i32
    %dma_wait3A_23 = tpu.memref_slice %arg6[%dma_wait3A_21, %dma_wait3A_22] : memref<512x128xf32, #tpu.memory_space<vmem>> -> memref<128x128xf32, #tpu.memory_space<vmem>>
    %dma_wait3A_24 = arith.constant 0 : i32
    %dma_wait3A_25 = tpu.memref_slice %arg5[%dma_wait3A_24] : memref<512xi32, #tpu.memory_space<vmem>> -> memref<128xi32, #tpu.memory_space<vmem>>
    %dma_wait3A_26 = arith.constant 0 : i32
    %dma_wait3A_27 = arith.constant 0 : i32
    %dma_wait3A_28 = tpu.memref_slice %arg2[%dma_wait3A_26, %dma_wait3A_27] : memref<1024x128xf32, #tpu.memory_space<hbm>> -> memref<1024x128xf32, #tpu.memory_space<hbm>>
    tpu.wait_indirect_dma semaphore(%arg9 : memref<!tpu.dma_semaphore, #tpu.memory_space<semaphore_mem>>) src(%dma_wait3A_28 : memref<1024x128xf32, #tpu.memory_space<hbm>>) dst(%dma_wait3A_23 : memref<128x128xf32, #tpu.memory_space<vmem>>)
    %dma_start3A_29 = arith.constant 128 : i32
    %dma_start3A_30 = arith.constant 0 : i32
    %dma_start3A_31 = tpu.memref_slice %arg6[%dma_start3A_29, %dma_start3A_30] : memref<512x128xf32, #tpu.memory_space<vmem>> -> memref<128x128xf32, #tpu.memory_space<vmem>>
    %dma_start3A_32 = arith.constant 128 : i32
    %dma_start3A_33 = tpu.memref_slice %arg5[%dma_start3A_32] : memref<512xi32, #tpu.memory_space<vmem>> -> memref<128xi32, #tpu.memory_space<vmem>>
    %dma_start3A_34 = arith.constant 0 : i32
    %dma_start3A_35 = arith.constant 0 : i32
    %dma_start3A_36 = tpu.memref_slice %arg8[%dma_start3A_34, %dma_start3A_35] : memref<1024x128xf32, #tpu.memory_space<vmem_shared>> -> memref<1024x128xf32, #tpu.memory_space<vmem_shared>>
    tpu.enqueue_indirect_dma source(%dma_start3A_36 : memref<1024x128xf32, #tpu.memory_space<vmem_shared>>) target(%dma_start3A_31 : memref<128x128xf32, #tpu.memory_space<vmem>>) offsets(%dma_start3A_33 : memref<128xi32, #tpu.memory_space<vmem>>) semaphore(%arg10 : memref<!tpu.dma_semaphore, #tpu.memory_space<semaphore_mem>>)
    %add3A_37 = arith.constant 0 : i32
    %add3A_38 = arith.addi %mul3A_2, %add3A_37 : i32
    %dma_start3A_39 = arith.constant 0 : i32
    %dma_start3A_40 = arith.constant 0 : i32
    %dma_start3A_41 = tpu.memref_slice %arg6[%dma_start3A_39, %dma_start3A_40] : memref<512x128xf32, #tpu.memory_space<vmem>> -> memref<128x128xf32, #tpu.memory_space<vmem>>
    %dma_start3A_42 = arith.constant 0 : i32
    %dma_start3A_43 = tpu.memref_slice %arg4[%add3A_38, %dma_start3A_42] : memref<16384x128xf32, #tpu.memory_space<hbm>> -> memref<128x128xf32, #tpu.memory_space<hbm>>
    %dma_start3A_44 = arith.constant 0 : i32
    %dma_start3A_45 = tpu.memref_slice %arg4[%add3A_38, %dma_start3A_44] : memref<16384x128xf32, #tpu.memory_space<hbm>> -> memref<128x128xf32, #tpu.memory_space<hbm>>
    %dma_start3A_46 = arith.constant 0 : i32
    %dma_start3A_47 = arith.constant 0 : i32
    %dma_start3A_48 = tpu.memref_slice %arg6[%dma_start3A_46, %dma_start3A_47] : memref<512x128xf32, #tpu.memory_space<vmem>> -> memref<128x128xf32, #tpu.memory_space<vmem>>
    tpu.enqueue_dma source(%dma_start3A_48 : memref<128x128xf32, #tpu.memory_space<vmem>>) target(%dma_start3A_45 : memref<128x128xf32, #tpu.memory_space<hbm>>) target_semaphore(%arg13 : memref<!tpu.dma_semaphore, #tpu.memory_space<semaphore_mem>>)
    %dma_wait3A_49 = arith.constant 128 : i32
    %dma_wait3A_50 = arith.constant 0 : i32
    %dma_wait3A_51 = tpu.memref_slice %arg6[%dma_wait3A_49, %dma_wait3A_50] : memref<512x128xf32, #tpu.memory_space<vmem>> -> memref<128x128xf32, #tpu.memory_space<vmem>>
    %dma_wait3A_52 = arith.constant 128 : i32
    %dma_wait3A_53 = tpu.memref_slice %arg5[%dma_wait3A_52] : memref<512xi32, #tpu.memory_space<vmem>> -> memref<128xi32, #tpu.memory_space<vmem>>
    %dma_wait3A_54 = arith.constant 0 : i32
    %dma_wait3A_55 = arith.constant 0 : i32
    %dma_wait3A_56 = tpu.memref_slice %arg8[%dma_wait3A_54, %dma_wait3A_55] : memref<1024x128xf32, #tpu.memory_space<vmem_shared>> -> memref<1024x128xf32, #tpu.memory_space<vmem_shared>>
    tpu.wait_indirect_dma semaphore(%arg10 : memref<!tpu.dma_semaphore, #tpu.memory_space<semaphore_mem>>) src(%dma_wait3A_56 : memref<1024x128xf32, #tpu.memory_space<vmem_shared>>) dst(%dma_wait3A_51 : memref<128x128xf32, #tpu.memory_space<vmem>>)
    %dma_start3A_57 = arith.constant 256 : i32
    %dma_start3A_58 = arith.constant 0 : i32
    %dma_start3A_59 = tpu.memref_slice %arg6[%dma_start3A_57, %dma_start3A_58] : memref<512x128xf32, #tpu.memory_space<vmem>> -> memref<128x128xf32, #tpu.memory_space<vmem>>
    %dma_start3A_60 = arith.constant 256 : i32
    %dma_start3A_61 = tpu.memref_slice %arg5[%dma_start3A_60] : memref<512xi32, #tpu.memory_space<vmem>> -> memref<128xi32, #tpu.memory_space<vmem>>
    %dma_start3A_62 = arith.constant 0 : i32
    %dma_start3A_63 = arith.constant 0 : i32
    %dma_start3A_64 = tpu.memref_slice %arg8[%dma_start3A_62, %dma_start3A_63] : memref<1024x128xf32, #tpu.memory_space<vmem_shared>> -> memref<1024x128xf32, #tpu.memory_space<vmem_shared>>
    tpu.enqueue_indirect_dma source(%dma_start3A_64 : memref<1024x128xf32, #tpu.memory_space<vmem_shared>>) target(%dma_start3A_59 : memref<128x128xf32, #tpu.memory_space<vmem>>) offsets(%dma_start3A_61 : memref<128xi32, #tpu.memory_space<vmem>>) semaphore(%arg11 : memref<!tpu.dma_semaphore, #tpu.memory_space<semaphore_mem>>)
    %add3A_65 = arith.constant 128 : i32
    %add3A_66 = arith.addi %mul3A_2, %add3A_65 : i32
    %dma_start3A_67 = arith.constant 128 : i32
    %dma_start3A_68 = arith.constant 0 : i32
    %dma_start3A_69 = tpu.memref_slice %arg6[%dma_start3A_67, %dma_start3A_68] : memref<512x128xf32, #tpu.memory_space<vmem>> -> memref<128x128xf32, #tpu.memory_space<vmem>>
    %dma_start3A_70 = arith.constant 0 : i32
    %dma_start3A_71 = tpu.memref_slice %arg4[%add3A_66, %dma_start3A_70] : memref<16384x128xf32, #tpu.memory_space<hbm>> -> memref<128x128xf32, #tpu.memory_space<hbm>>
    %dma_start3A_72 = arith.constant 0 : i32
    %dma_start3A_73 = tpu.memref_slice %arg4[%add3A_66, %dma_start3A_72] : memref<16384x128xf32, #tpu.memory_space<hbm>> -> memref<128x128xf32, #tpu.memory_space<hbm>>
    %dma_start3A_74 = arith.constant 128 : i32
    %dma_start3A_75 = arith.constant 0 : i32
    %dma_start3A_76 = tpu.memref_slice %arg6[%dma_start3A_74, %dma_start3A_75] : memref<512x128xf32, #tpu.memory_space<vmem>> -> memref<128x128xf32, #tpu.memory_space<vmem>>
    tpu.enqueue_dma source(%dma_start3A_76 : memref<128x128xf32, #tpu.memory_space<vmem>>) target(%dma_start3A_73 : memref<128x128xf32, #tpu.memory_space<hbm>>) target_semaphore(%arg13 : memref<!tpu.dma_semaphore, #tpu.memory_space<semaphore_mem>>)
    %dma_wait3A_77 = arith.constant 256 : i32
    %dma_wait3A_78 = arith.constant 0 : i32
    %dma_wait3A_79 = tpu.memref_slice %arg6[%dma_wait3A_77, %dma_wait3A_78] : memref<512x128xf32, #tpu.memory_space<vmem>> -> memref<128x128xf32, #tpu.memory_space<vmem>>
    %dma_wait3A_80 = arith.constant 256 : i32
    %dma_wait3A_81 = tpu.memref_slice %arg5[%dma_wait3A_80] : memref<512xi32, #tpu.memory_space<vmem>> -> memref<128xi32, #tpu.memory_space<vmem>>
    %dma_wait3A_82 = arith.constant 0 : i32
    %dma_wait3A_83 = arith.constant 0 : i32
    %dma_wait3A_84 = tpu.memref_slice %arg8[%dma_wait3A_82, %dma_wait3A_83] : memref<1024x128xf32, #tpu.memory_space<vmem_shared>> -> memref<1024x128xf32, #tpu.memory_space<vmem_shared>>
    tpu.wait_indirect_dma semaphore(%arg11 : memref<!tpu.dma_semaphore, #tpu.memory_space<semaphore_mem>>) src(%dma_wait3A_84 : memref<1024x128xf32, #tpu.memory_space<vmem_shared>>) dst(%dma_wait3A_79 : memref<128x128xf32, #tpu.memory_space<vmem>>)
    %dma_start3A_85 = arith.constant 384 : i32
    %dma_start3A_86 = arith.constant 0 : i32
    %dma_start3A_87 = tpu.memref_slice %arg6[%dma_start3A_85, %dma_start3A_86] : memref<512x128xf32, #tpu.memory_space<vmem>> -> memref<128x128xf32, #tpu.memory_space<vmem>>
    %dma_start3A_88 = arith.constant 384 : i32
    %dma_start3A_89 = tpu.memref_slice %arg5[%dma_start3A_88] : memref<512xi32, #tpu.memory_space<vmem>> -> memref<128xi32, #tpu.memory_space<vmem>>
    %dma_start3A_90 = arith.constant 0 : i32
    %dma_start3A_91 = arith.constant 0 : i32
    %dma_start3A_92 = tpu.memref_slice %arg8[%dma_start3A_90, %dma_start3A_91] : memref<1024x128xf32, #tpu.memory_space<vmem_shared>> -> memref<1024x128xf32, #tpu.memory_space<vmem_shared>>
    tpu.enqueue_indirect_dma source(%dma_start3A_92 : memref<1024x128xf32, #tpu.memory_space<vmem_shared>>) target(%dma_start3A_87 : memref<128x128xf32, #tpu.memory_space<vmem>>) offsets(%dma_start3A_89 : memref<128xi32, #tpu.memory_space<vmem>>) semaphore(%arg12 : memref<!tpu.dma_semaphore, #tpu.memory_space<semaphore_mem>>)
    %add3A_93 = arith.constant 256 : i32
    %add3A_94 = arith.addi %mul3A_2, %add3A_93 : i32
    %dma_start3A_95 = arith.constant 256 : i32
    %dma_start3A_96 = arith.constant 0 : i32
    %dma_start3A_97 = tpu.memref_slice %arg6[%dma_start3A_95, %dma_start3A_96] : memref<512x128xf32, #tpu.memory_space<vmem>> -> memref<128x128xf32, #tpu.memory_space<vmem>>
    %dma_start3A_98 = arith.constant 0 : i32
    %dma_start3A_99 = tpu.memref_slice %arg4[%add3A_94, %dma_start3A_98] : memref<16384x128xf32, #tpu.memory_space<hbm>> -> memref<128x128xf32, #tpu.memory_space<hbm>>
    %dma_start3A_100 = arith.constant 0 : i32
    %dma_start3A_101 = tpu.memref_slice %arg4[%add3A_94, %dma_start3A_100] : memref<16384x128xf32, #tpu.memory_space<hbm>> -> memref<128x128xf32, #tpu.memory_space<hbm>>
    %dma_start3A_102 = arith.constant 256 : i32
    %dma_start3A_103 = arith.constant 0 : i32
    %dma_start3A_104 = tpu.memref_slice %arg6[%dma_start3A_102, %dma_start3A_103] : memref<512x128xf32, #tpu.memory_space<vmem>> -> memref<128x128xf32, #tpu.memory_space<vmem>>
    tpu.enqueue_dma source(%dma_start3A_104 : memref<128x128xf32, #tpu.memory_space<vmem>>) target(%dma_start3A_101 : memref<128x128xf32, #tpu.memory_space<hbm>>) target_semaphore(%arg13 : memref<!tpu.dma_semaphore, #tpu.memory_space<semaphore_mem>>)
    %dma_wait3A_105 = arith.constant 384 : i32
    %dma_wait3A_106 = arith.constant 0 : i32
    %dma_wait3A_107 = tpu.memref_slice %arg6[%dma_wait3A_105, %dma_wait3A_106] : memref<512x128xf32, #tpu.memory_space<vmem>> -> memref<128x128xf32, #tpu.memory_space<vmem>>
    %dma_wait3A_108 = arith.constant 384 : i32
    %dma_wait3A_109 = tpu.memref_slice %arg5[%dma_wait3A_108] : memref<512xi32, #tpu.memory_space<vmem>> -> memref<128xi32, #tpu.memory_space<vmem>>
    %dma_wait3A_110 = arith.constant 0 : i32
    %dma_wait3A_111 = arith.constant 0 : i32
    %dma_wait3A_112 = tpu.memref_slice %arg8[%dma_wait3A_110, %dma_wait3A_111] : memref<1024x128xf32, #tpu.memory_space<vmem_shared>> -> memref<1024x128xf32, #tpu.memory_space<vmem_shared>>
    tpu.wait_indirect_dma semaphore(%arg12 : memref<!tpu.dma_semaphore, #tpu.memory_space<semaphore_mem>>) src(%dma_wait3A_112 : memref<1024x128xf32, #tpu.memory_space<vmem_shared>>) dst(%dma_wait3A_107 : memref<128x128xf32, #tpu.memory_space<vmem>>)
    %add3A_113 = arith.constant 384 : i32
    %add3A_114 = arith.addi %mul3A_2, %add3A_113 : i32
    %dma_start3A_115 = arith.constant 384 : i32
    %dma_start3A_116 = arith.constant 0 : i32
    %dma_start3A_117 = tpu.memref_slice %arg6[%dma_start3A_115, %dma_start3A_116] : memref<512x128xf32, #tpu.memory_space<vmem>> -> memref<128x128xf32, #tpu.memory_space<vmem>>
    %dma_start3A_118 = arith.constant 0 : i32
    %dma_start3A_119 = tpu.memref_slice %arg4[%add3A_114, %dma_start3A_118] : memref<16384x128xf32, #tpu.memory_space<hbm>> -> memref<128x128xf32, #tpu.memory_space<hbm>>
    %dma_start3A_120 = arith.constant 0 : i32
    %dma_start3A_121 = tpu.memref_slice %arg4[%add3A_114, %dma_start3A_120] : memref<16384x128xf32, #tpu.memory_space<hbm>> -> memref<128x128xf32, #tpu.memory_space<hbm>>
    %dma_start3A_122 = arith.constant 384 : i32
    %dma_start3A_123 = arith.constant 0 : i32
    %dma_start3A_124 = tpu.memref_slice %arg6[%dma_start3A_122, %dma_start3A_123] : memref<512x128xf32, #tpu.memory_space<vmem>> -> memref<128x128xf32, #tpu.memory_space<vmem>>
    tpu.enqueue_dma source(%dma_start3A_124 : memref<128x128xf32, #tpu.memory_space<vmem>>) target(%dma_start3A_121 : memref<128x128xf32, #tpu.memory_space<hbm>>) target_semaphore(%arg13 : memref<!tpu.dma_semaphore, #tpu.memory_space<semaphore_mem>>)
    %dma_wait3A_125 = arith.constant 0 : i32
    %dma_wait3A_126 = arith.constant 0 : i32
    %dma_wait3A_127 = tpu.memref_slice %arg6[%dma_wait3A_125, %dma_wait3A_126] : memref<512x128xf32, #tpu.memory_space<vmem>> -> memref<128x128xf32, #tpu.memory_space<vmem>>
    %dma_wait3A_128 = arith.constant 0 : i32
    %dma_wait3A_129 = tpu.memref_slice %arg4[%add3A_38, %dma_wait3A_128] : memref<16384x128xf32, #tpu.memory_space<hbm>> -> memref<128x128xf32, #tpu.memory_space<hbm>>
    %dma_wait3A_130 = arith.constant 0 : i32
    %dma_wait3A_131 = tpu.memref_slice %arg4[%add3A_38, %dma_wait3A_130] : memref<16384x128xf32, #tpu.memory_space<hbm>> -> memref<128x128xf32, #tpu.memory_space<hbm>>
    %dma_wait3A_132 = arith.constant 0 : i32
    %dma_wait3A_133 = arith.constant 0 : i32
    %dma_wait3A_134 = tpu.memref_slice %arg6[%dma_wait3A_132, %dma_wait3A_133] : memref<512x128xf32, #tpu.memory_space<vmem>> -> memref<128x128xf32, #tpu.memory_space<vmem>>
    tpu.wait_dma2 semaphore(%arg13 : memref<!tpu.dma_semaphore, #tpu.memory_space<semaphore_mem>>) src(%dma_wait3A_134 : memref<128x128xf32, #tpu.memory_space<vmem>>) dst(%dma_wait3A_131 : memref<128x128xf32, #tpu.memory_space<hbm>>)
    %dma_wait3A_135 = arith.constant 128 : i32
    %dma_wait3A_136 = arith.constant 0 : i32
    %dma_wait3A_137 = tpu.memref_slice %arg6[%dma_wait3A_135, %dma_wait3A_136] : memref<512x128xf32, #tpu.memory_space<vmem>> -> memref<128x128xf32, #tpu.memory_space<vmem>>
    %dma_wait3A_138 = arith.constant 0 : i32
    %dma_wait3A_139 = tpu.memref_slice %arg4[%add3A_66, %dma_wait3A_138] : memref<16384x128xf32, #tpu.memory_space<hbm>> -> memref<128x128xf32, #tpu.memory_space<hbm>>
    %dma_wait3A_140 = arith.constant 0 : i32
    %dma_wait3A_141 = tpu.memref_slice %arg4[%add3A_66, %dma_wait3A_140] : memref<16384x128xf32, #tpu.memory_space<hbm>> -> memref<128x128xf32, #tpu.memory_space<hbm>>
    %dma_wait3A_142 = arith.constant 128 : i32
    %dma_wait3A_143 = arith.constant 0 : i32
    %dma_wait3A_144 = tpu.memref_slice %arg6[%dma_wait3A_142, %dma_wait3A_143] : memref<512x128xf32, #tpu.memory_space<vmem>> -> memref<128x128xf32, #tpu.memory_space<vmem>>
    tpu.wait_dma2 semaphore(%arg13 : memref<!tpu.dma_semaphore, #tpu.memory_space<semaphore_mem>>) src(%dma_wait3A_144 : memref<128x128xf32, #tpu.memory_space<vmem>>) dst(%dma_wait3A_141 : memref<128x128xf32, #tpu.memory_space<hbm>>)
    %dma_wait3A_145 = arith.constant 256 : i32
    %dma_wait3A_146 = arith.constant 0 : i32
    %dma_wait3A_147 = tpu.memref_slice %arg6[%dma_wait3A_145, %dma_wait3A_146] : memref<512x128xf32, #tpu.memory_space<vmem>> -> memref<128x128xf32, #tpu.memory_space<vmem>>
    %dma_wait3A_148 = arith.constant 0 : i32
    %dma_wait3A_149 = tpu.memref_slice %arg4[%add3A_94, %dma_wait3A_148] : memref<16384x128xf32, #tpu.memory_space<hbm>> -> memref<128x128xf32, #tpu.memory_space<hbm>>
    %dma_wait3A_150 = arith.constant 0 : i32
    %dma_wait3A_151 = tpu.memref_slice %arg4[%add3A_94, %dma_wait3A_150] : memref<16384x128xf32, #tpu.memory_space<hbm>> -> memref<128x128xf32, #tpu.memory_space<hbm>>
    %dma_wait3A_152 = arith.constant 256 : i32
    %dma_wait3A_153 = arith.constant 0 : i32
    %dma_wait3A_154 = tpu.memref_slice %arg6[%dma_wait3A_152, %dma_wait3A_153] : memref<512x128xf32, #tpu.memory_space<vmem>> -> memref<128x128xf32, #tpu.memory_space<vmem>>
    tpu.wait_dma2 semaphore(%arg13 : memref<!tpu.dma_semaphore, #tpu.memory_space<semaphore_mem>>) src(%dma_wait3A_154 : memref<128x128xf32, #tpu.memory_space<vmem>>) dst(%dma_wait3A_151 : memref<128x128xf32, #tpu.memory_space<hbm>>)
    %dma_wait3A_155 = arith.constant 384 : i32
    %dma_wait3A_156 = arith.constant 0 : i32
    %dma_wait3A_157 = tpu.memref_slice %arg6[%dma_wait3A_155, %dma_wait3A_156] : memref<512x128xf32, #tpu.memory_space<vmem>> -> memref<128x128xf32, #tpu.memory_space<vmem>>
    %dma_wait3A_158 = arith.constant 0 : i32
    %dma_wait3A_159 = tpu.memref_slice %arg4[%add3A_114, %dma_wait3A_158] : memref<16384x128xf32, #tpu.memory_space<hbm>> -> memref<128x128xf32, #tpu.memory_space<hbm>>
    %dma_wait3A_160 = arith.constant 0 : i32
    %dma_wait3A_161 = tpu.memref_slice %arg4[%add3A_114, %dma_wait3A_160] : memref<16384x128xf32, #tpu.memory_space<hbm>> -> memref<128x128xf32, #tpu.memory_space<hbm>>
    %dma_wait3A_162 = arith.constant 384 : i32
    %dma_wait3A_163 = arith.constant 0 : i32
    %dma_wait3A_164 = tpu.memref_slice %arg6[%dma_wait3A_162, %dma_wait3A_163] : memref<512x128xf32, #tpu.memory_space<vmem>> -> memref<128x128xf32, #tpu.memory_space<vmem>>
    tpu.wait_dma2 semaphore(%arg13 : memref<!tpu.dma_semaphore, #tpu.memory_space<semaphore_mem>>) src(%dma_wait3A_164 : memref<128x128xf32, #tpu.memory_space<vmem>>) dst(%dma_wait3A_161 : memref<128x128xf32, #tpu.memory_space<hbm>>)
    return
  }
}

</mosaic_0001>

<sc_bundles>
// kernel: kernel.3.cloned.1.call-start
scs
__scs_entry_jumppad:
0x0: {  	(pc) =	sbr.rel $0x88, $3  }
0x1: {  	(tag) =	ssettag $0x0;
	lr =	simm.s32 $0x1  }
0x2: {  	[smem:$0x3F9F] =	sst lr;
	_ =	strace $0xD0000000  }
0x3: {  	_ = 	snop  }
0x4: {  	_ = 	snop  }
0x5: {  	_ = 	snop  }
0x6: {  	_ = 	snop  }
0x7: {  	_ = 	snop  }
__scs_overlays_trampoline_lowered:
0x8: {  	[smem:$0x3FAE] =	sst s0  }
0x9: {  	[smem:$0x3FAF] =	sst s1  }
0xa: {  	[smem:$0x3FB0] =	sst s2  }
0xb: {  	[smem:$0x3FB1] =	sst s3  }
0xc: {  	[smem:$0x3FB2] =	sst s4  }
0xd: {  	[smem:$0x3FB3] =	sst s5  }
0xe: {  	[smem:$0x3FB4] =	sst s6  }
0xf: {  	[smem:$0x3FB5] =	sst s7  }
0x10: {  	[smem:$0x3FB6] =	sst s8  }
0x11: {  	[smem:$0x3FB7] =	sst s9;
	s0 =	simm.s32 @!p0 $0x0  }
0x12: {  	s1 =	sld [smem:$0x3F9D];
	s0 =	simm.s32 @p0 $0x1  }
0x13: {  	[smem:$0x3FB8] =	sst s0;
	s0 =	simm.s32 @!p1 $0x0  }
0x14: {  	s2 =	sld [smem:$0x3F9C];
	s0 =	simm.s32 @p1 $0x1  }
0x15: {  	[smem:$0x3FB9] =	sst s0;
	s0 =	simm.s32 @!p2 $0x0  }
0x16: {  	s3 =	sld [smem:$0x3FDB];
	s0 =	simm.s32 @p2 $0x1  }
0x17: {  	s4 =	simm.s32 $0x1BF5;
	[smem:$0x3FBB] =	sst s0  }
0x18: {  	s0 =	sld [smem:$0x3F9E];
	_ =	swait.ge [sflag:s4], $0x0  }
0x19: {  	s7 =	sld [smem:$0x3F9F]  }
0x1a: {  	s8 =	sadd.s32 $0xFFFFE003, lr  }
0x1b: {  	s9 =	sadd.s32 $0xFFFFFEF7, lr;
	s5 =	simm.s32 $0xFFFFFFFF;
	p2 =	slt.u32 s8, $0xFFFFF086  }
0x1c: {  	p1 =	slt.u32 s9, $0xF7A;
	s5 =	simm.s32 @!p2 $0x0  }
0x1d: {  	s5 =	simm.s32 @p1 $0x1;
	p0 =	seq.s32 s7, s2  }
0x1e: {  	s7 =	smul.u32 @!p0 $0xF7A, s2;
	p2 =	seq.s32 @!p0 s5, $0x0  }
0x1f: {  	s9 =	smul.u32 $0xF7A, s1;
	s8 =	simm.s32 @!p0 $0x1BF5;
	p2 =	por !p2, p0  }
0x20: {  	[sflag:s8] =	ssyncset.s32 @!p0 $0xFFFFF086;
	s6 =	sadd.s32 @!p0 s3, s7;
	s7 =	simm.s32 @!p0 $0x108  }
0x21: {  	s3 =	sadd.s32 s3, s9;
	s6 =	sadd.s32 @!p0 $0x88, s6;
	s7 =	simm.s32 @p2 $0x1082  }
0x22: {  	[simem:s7], [sflag:s8] =	dma.local @!p0 [hbm:s6], $0xF7A  }
0x23: {  	s9 =	sor.u32 $0xD0000000, s2;
	s6 =	simm.s32 $0x108;
	_ =	swait.ge @!p0 [sflag:s8], $0x0  }
0x24: {  	s3 =	sadd.s32 $0x88, s3;
	s6 =	simm.s32 @!p1 $0x1082;
	[sflag:s4] =	ssyncset.s32 $0xFFFFF086  }
0x25: {  	[simem:s6], [sflag:s4] =	dma.local [hbm:s3], $0xF7A  }
0x26: {  	[smem:$0x3F9F] =	sst s1;
	(tag) =	ssettag s2;
	_ =	strace s9  }
0x27: {  	s1 =	sld [smem:$0x3FAF]  }
0x28: {  	s2 =	sld [smem:$0x3FB0]  }
0x29: {  	s4 =	sld [smem:$0x3FB2]  }
0x2a: {  	p0 =	seq.s32 s5, $0x0;
	s5 =	sld [smem:$0x3FB3]  }
0x2b: {  	s6 =	sld [smem:$0x3FB4]  }
0x2c: {  	s7 =	sld [smem:$0x3FB5]  }
0x2d: {  	s3 =	simm.s32 $0x108;
	s8 =	sld [smem:$0x3FB6]  }
0x2e: {  	s3 =	simm.s32 @!p0 $0x1082;
	s9 =	sld [smem:$0x3FB7]  }
0x2f: {  	lr =	sadd.s32 s0, s3;
	s0 =	sld [smem:$0x3FAE]  }
0x30: {  	s3 =	sld [smem:$0x3FB1]  }
0x31: {  	[smem:$0x3FBA] =	sst s10  }
0x32: {  	s10 =	sld [smem:$0x3FB8];
	_ =	sdelay $0x3  }
0x33: {  	p0 =	seq.s32 s10, $0x1;
	s10 =	sld [smem:$0x3FBA];
	_ =	sdelay $0x3  }
0x34: {  	[smem:$0x3FBA] =	sst s10  }
0x35: {  	s10 =	sld [smem:$0x3FB9];
	_ =	sdelay $0x3  }
0x36: {  	p1 =	seq.s32 s10, $0x1;
	s10 =	sld [smem:$0x3FBA];
	_ =	sdelay $0x3  }
0x37: {  	[smem:$0x3FBA] =	sst s10  }
0x38: {  	s10 =	sld [smem:$0x3FBB]  }
0x39: {  	_ = 	snop;
	(pc) =	sbr.ind lr, $3  }
0x3a: {  	_ = 	snop  }
0x3b: {  	_ = 	snop  }
0x3c: {  	p2 =	seq.s32 s10, $0x1;
	s10 =	sld [smem:$0x3FBA]  }
0x3d: {  	_ =	shalt  }
0x3e: {  	_ =	shalt  }
0x3f: {  	_ =	shalt  }
0x40: {  	_ =	shalt  }
0x41: {  	_ =	shalt  }
0x42: {  	_ =	shalt  }
0x43: {  	_ =	shalt  }
0x44: {  	_ =	shalt  }
0x45: {  	_ =	shalt  }
0x46: {  	_ =	shalt  }
0x47: {  	_ =	shalt  }
0x48: {  	_ =	shalt  }
0x49: {  	_ =	shalt  }
0x4a: {  	_ =	shalt  }
0x4b: {  	_ =	shalt  }
0x4c: {  	_ =	shalt  }
0x4d: {  	_ =	shalt  }
0x4e: {  	_ =	shalt  }
0x4f: {  	_ =	shalt  }
0x50: {  	_ =	shalt  }
0x51: {  	_ =	shalt  }
0x52: {  	_ =	shalt  }
0x53: {  	_ =	shalt  }
0x54: {  	_ =	shalt  }
0x55: {  	_ =	shalt  }
0x56: {  	_ =	shalt  }
0x57: {  	_ =	shalt  }
0x58: {  	_ =	shalt  }
0x59: {  	_ =	shalt  }
0x5a: {  	_ =	shalt  }
0x5b: {  	_ =	shalt  }
0x5c: {  	_ =	shalt  }
0x5d: {  	_ =	shalt  }
0x5e: {  	_ =	shalt  }
0x5f: {  	_ =	shalt  }
0x60: {  	_ =	shalt  }
0x61: {  	_ =	shalt  }
0x62: {  	_ =	shalt  }
0x63: {  	_ =	shalt  }
0x64: {  	_ =	shalt  }
0x65: {  	_ =	shalt  }
0x66: {  	_ =	shalt  }
0x67: {  	_ =	shalt  }
0x68: {  	_ =	shalt  }
0x69: {  	_ =	shalt  }
0x6a: {  	_ =	shalt  }
0x6b: {  	_ =	shalt  }
0x6c: {  	_ =	shalt  }
0x6d: {  	_ =	shalt  }
0x6e: {  	_ =	shalt  }
0x6f: {  	_ =	shalt  }
0x70: {  	_ =	shalt  }
0x71: {  	_ =	shalt  }
0x72: {  	_ =	shalt  }
0x73: {  	_ =	shalt  }
0x74: {  	_ =	shalt  }
0x75: {  	_ =	shalt  }
0x76: {  	_ =	shalt  }
0x77: {  	_ =	shalt  }
0x78: {  	_ =	shalt  }
0x79: {  	_ =	shalt  }
0x7a: {  	_ =	shalt  }
0x7b: {  	_ =	shalt  }
0x7c: {  	_ =	shalt  }
0x7d: {  	_ =	shalt  }
0x7e: {  	_ =	shalt  }
0x7f: {  	_ =	shalt  }
0x80: {  	_ =	shalt  }
0x81: {  	_ =	shalt  }
0x82: {  	_ =	shalt  }
0x83: {  	_ =	shalt  }
0x84: {  	_ =	shalt  }
0x85: {  	_ =	shalt  }
0x86: {  	_ =	shalt  }
0x87: {  	_ =	shalt  }
.Lfunc_end0:
.L_simem_size_0:
called_computation_lowered:
.L_overlay_start_0:
0x88: {  	s2 =	sld [smem:$0x3FD9]  }
0x89: {  	s3 =	sld [smem:$0x3FFE];
	_ =	sdelay $0x1  }
0x8a: {  	s1 =	srdreg.scid  }
0x8b: {  	s0 =	sand.u32 $0x1, s1  }
0x8c: {  	s17 =	sshll.u32 s0, $0xA;
	s2 =	sadd.s32 s3, s2  }
0x8d: {  	s2 =	sadd.s32 s2, s17  }
0x8e: {  	[smem:$0x3FC6] =	sst s2  }
0x8f: {  	_ = 	snop  }
0x90: {  	s2 =	sld [smem:$0x3FC9]  }
0x91: {  	s18 =	sld [smem:$0x3FD0];
	(tm) =	ssettm $0x1  }
0x92: {  	s4 =	sld [smem:$0x3FFB];
	_ =	sdelay $0x3  }
0x93: {  	_ =	strace s4  }
0x94: {  	s4 =	sld [smem:$0x3FFC];
	_ =	sdelay $0x3  }
0x95: {  	_ =	strace s4  }
0x96: {  	s4 =	sld [smem:$0x3FFD];
	_ =	sdelay $0x3  }
0x97: {  	_ =	strace s4  }
0x98: {  	_ =	strace $0x8FFFFFFF  }
0x99: {  	s19 =	sld [smem:$0x3FDB];
	_ =	sdelay $0x1  }
0x9a: {  	s5 =	simm.s32 $_scs_section_size  }
0x9b: {  	s6 =	simm.s32 $_size__tile_overlayer_lowered;
	s7 =	simm.s32 $_tile_overlayer_lowered  }
0x9c: {  	s22 =	simm.s32 $0x1BFF;
	s21 =	sshll.u32 s7, $0x1;
	s4 =	sadd.s32 s5, s19  }
0x9d: {  	s8 =	simm.s32 $0x0;
	s20 =	sshll.u32 s6, $0x1;
	s6 =	sadd.s32 s21, s4  }
0x9e: {  	[timem:s8], [sflag:s22] =	dma.local [hbm:s6], s20  }
0x9f: {  	_ =	swait.ge [sflag:s22], s20  }
0xa0: {  	s5 =	ssub.s32 $0x0, s20;
	[sflag:s22] =	ssyncset.done $0x0  }
0xa1: {  	[sflag:s22] =	ssyncadd.s32 s5;
	_ =	sdelay $0x1  }
0xa2: {  	s23 =	simm.s32 $0x1B8B  }
0xa3: {  	_ =	swait.ge [sflag:s23], $0x1  }
0xa4: {  	[sflag:s23] =	ssyncset.done $0x0  }
0xa5: {  	s25 =	simm.s32 $0x1B8E;
	s24 =	sld [smem:$0x3FFE];
	[sflag:s23] =	ssyncadd.s32 $0xFFFFFFFF  }
0xa6: {  	s26 =	simm.s32 $execute0_lowered;
	[smem:$0x3FD2] =	sst s25  }
0xa7: {  	s6 =	sshll.u32 s26, $0x1;
	_ =	strace $0x80000046;
	[dreg:$0x1] =	wrdreg $0xFFFFFFFF  }
0xa8: {  	s28 =	simm.s32 $_size_execute0_lowered;
	s4 =	sadd.s32 s4, s6;
	[dreg:$0x0] =	wrdreg $0x0  }
0xa9: {  	s6 =	sshll.u32 s28, $0x1;
	[dreg:$0x2] =	wrdreg s4  }
0xaa: {  	[dreg:$0x3] =	wrdreg s6  }
0xab: {  	[dreg:$0x4] =	wrdreg $0xC0  }
0xac: {  	_ =	task [dreg:s8], $0x5FFFF  }
0xad: {  	[dreg:$0x1] =	wrdreg $0xFFFFFFFF  }
0xae: {  	[dreg:$0x0] =	wrdreg $0x60  }
0xaf: {  	[dreg:$0x2] =	wrdreg s24  }
0xb0: {  	[dreg:$0x3] =	wrdreg s2  }
0xb1: {  	[dreg:$0x4] =	wrdreg s18  }
0xb2: {  	[dreg:$0x5] =	wrdreg $0x122000  }
0xb3: {  	[dreg:$0x6] =	wrdreg $0x9  }
0xb4: {  	_ =	task.clear_ibuf [dreg:s8], $0x7FFFF;
	_ =	strace $0x90000046  }
0xb5: {  	s29 =	simm.s32 $0x9;
	_ =	strace $0x80000048  }
0xb6: {  	_ =	swait.ge [sflag:s29], $0x1  }
0xb7: {  	[sflag:s29] =	ssyncadd.s32 $0xFFFFFFFF  }
0xb8: {  	_ =	strace $0x90000048  }
0xb9: {  	_ =	sfence  }
0xba: {  	s30 =	sld [smem:$0x0];
	_ =	sdelay $0x2  }
0xbb: {  	s31 =	sshll.u32 s1, $0xD;
	s1 =	sshrl.u32 s1, $0x2  }
0xbc: {  	s3 =	sand.u32 $0x4000, s31;
	s1 =	sadd.s32 s1, s30  }
0xbd: {  	s0 =	sor.u32 s3, s0;
	s1 =	sshll.u32 s1, $0x11  }
0xbe: {  	s0 =	sor.u32 s1, s0  }
0xbf: {  	s0 =	sadd.s32 $0x8F2B, s0  }
0xc0: {  	[sflag:s0] =	ssyncadd.remote.s32 $0x1  }
0xc1: {  	_ =	sfence.sel $0xFFFF  }
0xc2: {  	[dreg:$0x0] =	wrdreg $0xFFFFFFFF;
	(pc) =	sbr.abs _section_cstart, $3  }
0xc3: {  	[dreg:$0x1] =	wrdreg $0xFFFFFFFF  }
0xc4: {  	_ =	task.clear_ibuf [dreg:s8], $0x2FFFF;
	_ =	strace $0x9FFFFFFF  }
0xc5: {  	(tm) =	ssettm $0x7FFFFFFF  }
tec
execute0_lowered:
.L_overlay_start_1:
0x0: {  	(tag) =	ssettag $0x1  }
0x1: {  	s4 =	rddreg [dreg:$0x0]  }
0x2: {  	s7 =	rddreg [dreg:$0x1]  }
0x3: {  	s15 =	rddreg [dreg:$0x2]  }
0x4: {  	s2 =	rddreg [dreg:$0x3]  }
0x5: {  	s0 =	rddreg [dreg:$0x4];
	s5 =	srdreg.scid  }
0x6: {  	s3 =	simm.s32 $0x0;
	s1 =	stileid.u32;
	s28 =	sand.u32 $0x1, s5  }
0x7: {  	[smem:$0x7FF] =	sst s3;
	s31 =	sshll.u32 s1, $0xA;
	s6 =	sshll.u32 s28, $0x9  }
0x8: {  	s4 =	sadd.s32 $0x400, s4;
	_ =	strace $0x80000047;
	s14 =	sor.u32 s6, s31  }
0x9: {  	s5 =	sadd.s32 s4, s31;
	s6 =	simm.s32 $0x10200;
	s8 =	sshrl.u32 s14, $0x3  }
0xa: {  	[tilespmem:s6], [sflag:$0x6] =	stream.linear.gather [hbm4b:s5+s3], $0x2000, $0x38;
	[tilespmem:$0x14200] =	vst v63  }
0xb: {  	s7 =	sadd.s32 s7, s8;
	s8 =	simm.s32 $0x7  }
0xc: {  	[tilespmem:s3], [sflag:$0x7] =	stream.linear.gather [hbm4b:s7+s3], $0x200, $0x38;
	[tilespmem:$0x14200] =	vst v63  }
0xd: {  	_ =	swait.ge [sflag:s8], $0x200  }
0xe: {  	s9 =	simm.s32 $0x80;
	[sflag:s8] =	ssyncset.done $0x0  }
0xf: {  	s10 =	simm.s32 $0x200;
	s11 =	simm.s32 $0x6;
	[sflag:s8] =	ssyncadd.s32 $0xFFFFFE00  }
0x10: {  	[tilespmem:s10], [sflag:$0x1] =	stream.indirect.gather [hbm4b:s4+s9], $0x80, s3, s9, $0xb8;
	[tilespmem:$0x14200] =	vst v63  }
0x11: {  	_ =	swait.ge [sflag:s11], $0x2000  }
0x12: {  	s12 =	sshll.u32 s1, $0xD;
	[sflag:s11] =	ssyncset.done $0x0  }
0x13: {  	s12 =	sadd.s32 s12, s2;
	[sflag:s11] =	ssyncadd.s32 $0xFFFFE000  }
0x14: {  	[spmem:s12] =	stream.linear.scatter [tilespmem:s6], [sflag:$0x7], $0x2000, $0x38;
	[tilespmem:$0x14200] =	vst v63  }
0x15: {  	_ =	swait.ge [sflag:s8], $0x2000  }
0x16: {  	[sflag:s8] =	ssyncset.done $0x0  }
0x17: {  	[sflag:s8] =	ssyncadd.s32 $0xFFFFE000  }
0x18: {  	s13 =	simm.s32 $0x1;
	[bflag:$0x0] =	sbarrier.arrive $0xFFFF  }
0x19: {  	_ =	swait.ge [sflag:s13], $0x4000  }
0x1a: {  	[sflag:s13] =	ssyncset.done $0x0  }
0x1b: {  	s16 =	sshll.u32 s14, $0x4;
	s14 =	simm.s32 $0x4200;
	[sflag:s13] =	ssyncadd.s32 $0xFFFFC000  }
0x1c: {  	[tilespmem:s14], [sflag:$0x2] =	stream.indirect.gather [spmem:s2], $0x80, s9, s9, $0xb8;
	[tilespmem:$0x14200] =	vst v63  }
0x1d: {  	s15 =	sadd.s32 s15, s16;
	s16 =	simm.s32 $0x2  }
0x1e: {  	[hbm4b:s15+s3] =	stream.linear.scatter [tilespmem:s10], [sflag:$0x5], $0x4000, $0x38;
	[tilespmem:$0x14200] =	vst v63  }
0x1f: {  	_ =	swait.ge [sflag:s16], $0x4000  }
0x20: {  	[sflag:s16] =	ssyncset.done $0x0  }
0x21: {  	s17 =	simm.s32 $0x100;
	s18 =	simm.s32 $0x8200;
	[sflag:s16] =	ssyncadd.s32 $0xFFFFC000  }
0x22: {  	[tilespmem:s18], [sflag:$0x3] =	stream.indirect.gather [spmem:s2], $0x80, s17, s9, $0xb8;
	[tilespmem:$0x14200] =	vst v63  }
0x23: {  	s20 =	simm.s32 $0x3;
	s19 =	sadd.s32 $0x800, s15  }
0x24: {  	[hbm4b:s19+s3] =	stream.linear.scatter [tilespmem:s14], [sflag:$0x5], $0x4000, $0x38;
	[tilespmem:$0x14200] =	vst v63  }
0x25: {  	_ =	swait.ge [sflag:s20], $0x4000  }
0x26: {  	[sflag:s20] =	ssyncset.done $0x0  }
0x27: {  	s21 =	simm.s32 $0x180;
	s22 =	simm.s32 $0xC200;
	[sflag:s20] =	ssyncadd.s32 $0xFFFFC000  }
0x28: {  	[tilespmem:s22], [sflag:$0x4] =	stream.indirect.gather [spmem:s2], $0x80, s21, s9, $0xb8;
	[tilespmem:$0x14200] =	vst v63  }
0x29: {  	s24 =	simm.s32 $0x4;
	s23 =	sadd.s32 $0x1000, s15  }
0x2a: {  	[hbm4b:s23+s3] =	stream.linear.scatter [tilespmem:s18], [sflag:$0x5], $0x4000, $0x38;
	[tilespmem:$0x14200] =	vst v63  }
0x2b: {  	_ =	swait.ge [sflag:s24], $0x4000  }
0x2c: {  	[sflag:s24] =	ssyncset.done $0x0  }
0x2d: {  	s26 =	simm.s32 $0x5;
	s25 =	sadd.s32 $0x1800, s15;
	[sflag:s24] =	ssyncadd.s32 $0xFFFFC000  }
0x2e: {  	[hbm4b:s25+s3] =	stream.linear.scatter [tilespmem:s22], [sflag:$0x5], $0x4000, $0x38;
	[tilespmem:$0x14200] =	vst v63  }
0x2f: {  	_ =	swait.ge [sflag:s26], $0x4000  }
0x30: {  	s28 =	ssub.s32 $0x2, s28;
	[sflag:s26] =	ssyncset.done $0x0  }
0x31: {  	s29 =	sshrl.u32 s28, $0x1;
	[sflag:s26] =	ssyncadd.s32 $0xFFFFC000  }
0x32: {  	s28 =	ssub.s32 s28, s29;
	_ =	swait.ge [sflag:s26], $0x4000  }
0x33: {  	s28 =	smax.u32 s28, $0x1;
	[sflag:s26] =	ssyncset.done $0x0  }
0x34: {  	p0 =	sne.s32 s28, $0x1;
	[sflag:s26] =	ssyncadd.s32 $0xFFFFC000  }
.Ltmp0:
0x35: {  	_ =	swait.ge [sflag:s26], $0x4000;
	(pc) =	sbr.rel @!p0 .LBB2_2-.Ltmp0, $4  }
0x36: {  	[sflag:s26] =	ssyncset.done $0x0  }
0x37: {  	[sflag:s26] =	ssyncadd.s32 $0xFFFFC000  }
0x38: {  	_ =	swait.ge [sflag:s26], $0x4000  }
0x39: {  	s28 =	sadd.s32 $0xFFFFFFFF, s28;
	[sflag:s26] =	ssyncset.done $0x0  }
.LBB2_1:
0x3a: {  	p0 =	sne.s32 s28, $0x1;
	s28 =	sadd.s32 $0xFFFFFFFF, s28;
	[sflag:s26] =	ssyncadd.s32 $0xFFFFC000  }
0x3b: {  	[tilespmem:s6], [sflag:$0x6] =	stream.linear.gather [hbm4b:s5+s3], $0x2000, $0x38;
	[tilespmem:$0x14200] =	vst v63  }
0x3c: {  	_ = 	snop  }
0x3d: {  	[tilespmem:s3], [sflag:$0x7] =	stream.linear.gather [hbm4b:s7+s3], $0x200, $0x38;
	[tilespmem:$0x14200] =	vst v63  }
0x3e: {  	_ =	swait.ge [sflag:s8], $0x200  }
0x3f: {  	[sflag:s8] =	ssyncset.done $0x0  }
0x40: {  	[sflag:s8] =	ssyncadd.s32 $0xFFFFFE00  }
0x41: {  	[tilespmem:s10], [sflag:$0x1] =	stream.indirect.gather [hbm4b:s4+s9], $0x80, s3, s9, $0xb8;
	[tilespmem:$0x14200] =	vst v63  }
0x42: {  	_ =	swait.ge [sflag:s11], $0x2000  }
0x43: {  	[sflag:s11] =	ssyncset.done $0x0  }
0x44: {  	[sflag:s11] =	ssyncadd.s32 $0xFFFFE000  }
0x45: {  	[spmem:s12] =	stream.linear.scatter [tilespmem:s6], [sflag:$0x7], $0x2000, $0x38;
	[tilespmem:$0x14200] =	vst v63  }
0x46: {  	_ =	swait.ge [sflag:s8], $0x2000  }
0x47: {  	[sflag:s8] =	ssyncset.done $0x0  }
0x48: {  	[sflag:s8] =	ssyncadd.s32 $0xFFFFE000  }
0x49: {  	[bflag:$0x0] =	sbarrier.arrive $0xFFFF  }
0x4a: {  	_ =	swait.ge [sflag:s13], $0x4000  }
0x4b: {  	[sflag:s13] =	ssyncset.done $0x0  }
0x4c: {  	[sflag:s13] =	ssyncadd.s32 $0xFFFFC000  }
0x4d: {  	[tilespmem:s14], [sflag:$0x2] =	stream.indirect.gather [spmem:s2], $0x80, s9, s9, $0xb8;
	[tilespmem:$0x14200] =	vst v63  }
0x4e: {  	_ = 	snop  }
0x4f: {  	[hbm4b:s15+s3] =	stream.linear.scatter [tilespmem:s10], [sflag:$0x5], $0x4000, $0x38;
	[tilespmem:$0x14200] =	vst v63  }
0x50: {  	_ =	swait.ge [sflag:s16], $0x4000  }
0x51: {  	[sflag:s16] =	ssyncset.done $0x0  }
0x52: {  	[sflag:s16] =	ssyncadd.s32 $0xFFFFC000  }
0x53: {  	[tilespmem:s18], [sflag:$0x3] =	stream.indirect.gather [spmem:s2], $0x80, s17, s9, $0xb8;
	[tilespmem:$0x14200] =	vst v63  }
0x54: {  	_ = 	snop  }
0x55: {  	[hbm4b:s19+s3] =	stream.linear.scatter [tilespmem:s14], [sflag:$0x5], $0x4000, $0x38;
	[tilespmem:$0x14200] =	vst v63  }
0x56: {  	_ =	swait.ge [sflag:s20], $0x4000  }
0x57: {  	[sflag:s20] =	ssyncset.done $0x0  }
0x58: {  	[sflag:s20] =	ssyncadd.s32 $0xFFFFC000  }
0x59: {  	[tilespmem:s22], [sflag:$0x4] =	stream.indirect.gather [spmem:s2], $0x80, s21, s9, $0xb8;
	[tilespmem:$0x14200] =	vst v63  }
0x5a: {  	_ = 	snop  }
0x5b: {  	[hbm4b:s23+s3] =	stream.linear.scatter [tilespmem:s18], [sflag:$0x5], $0x4000, $0x38;
	[tilespmem:$0x14200] =	vst v63  }
0x5c: {  	_ =	swait.ge [sflag:s24], $0x4000  }
0x5d: {  	[sflag:s24] =	ssyncset.done $0x0  }
0x5e: {  	[sflag:s24] =	ssyncadd.s32 $0xFFFFC000  }
0x5f: {  	[hbm4b:s25+s3] =	stream.linear.scatter [tilespmem:s22], [sflag:$0x5], $0x4000, $0x38;
	[tilespmem:$0x14200] =	vst v63  }
0x60: {  	_ =	swait.ge [sflag:s26], $0x4000  }
0x61: {  	[sflag:s26] =	ssyncset.done $0x0  }
0x62: {  	[sflag:s26] =	ssyncadd.s32 $0xFFFFC000  }
0x63: {  	_ =	swait.ge [sflag:s26], $0x4000  }
0x64: {  	[sflag:s26] =	ssyncset.done $0x0  }
0x65: {  	[sflag:s26] =	ssyncadd.s32 $0xFFFFC000  }
.Ltmp1:
0x66: {  	_ =	swait.ge [sflag:s26], $0x4000;
	(pc) =	sbr.rel @p0 .LBB2_1-.Ltmp1, $4  }
0x67: {  	[sflag:s26] =	ssyncset.done $0x0  }
0x68: {  	[sflag:s26] =	ssyncadd.s32 $0xFFFFC000  }
0x69: {  	_ =	swait.ge [sflag:s26], $0x4000  }
0x6a: {  	[sflag:s26] =	ssyncset.done $0x0  }
.LBB2_2:
0x6b: {  	[sflag:s26] =	ssyncadd.s32 $0xFFFFC000  }
0x6c: {  	_ =	sfence.sel $0x180000  }
0x6d: {  	[bflag:$0x0] =	sbarrier.arrive $0xFFFF  }
0x6e: {  	p0 =	sne.s32 s1, $0x0;
	_ =	strace $0x90000047  }
0x6f: {  	s0 =	sadd.s32 @!p0 $0x100000, s0;
	[bflag:$0x2] =	sbarrier.arrive $0xFFFF  }
0x70: {  	[sflag:s0] =	ssyncadd.tile.s32 @!p0 $0x1;
	_ =	shalt  }
.Lfunc_end2:
_tile_overlayer_lowered:
.L_overlay_start_2:
0x71: {  	(tag) =	ssettag $0x2  }
0x72: {  	s0 =	rddreg [dreg:$0x0];
	s2 =	stileid.u32  }
0x73: {  	s1 =	rddreg [dreg:$0x1];
	p0 =	sne.s32 s2, $0x0  }
0x74: {  	s3 =	rddreg [dreg:$0x2];
	[bflag:$0x3] =	sbarrier.arrive $0xFFFF;
	s2 =	simm.s32 @!p0 $0x1C07  }
0x75: {  	[timem:s3], [sflag:s2] =	dma.local @!p0 [hbm:s0], s1  }
0x76: {  	s0 =	simm.s32 @!p0 $0x7  }
0x77: {  	_ =	swait.ge @!p0 [sflag:s0], s1  }
0x78: {  	s1 =	ssub.s32 @!p0 $0x0, s1;
	[sflag:s0] =	ssyncset.done @!p0 $0x0  }
0x79: {  	[sflag:s0] =	ssyncadd.s32 @!p0 s1  }
0x7a: {  	[bflag:$0x3] =	sbarrier.arrive $0xFFFF  }
0x7b: {  	_ =	shalt  }

</sc_bundles>
